<compile_context>
chip_gen: v7x
topology: tpu7x:2x2x1
jax: 0.10.2.dev20260603
libtpu: 0.0.44.dev20260713+nightly
codegen_flags: <defaults>
</compile_context>

<pallas_src>
import functools

import jax
import jax.numpy as jnp
from jax import lax
from jax.experimental import pallas as pl
from jax.experimental.pallas import tpu as pltpu
from jax.experimental.pallas import tpu_sc as plsc

NC = 2
NS = 16
C = 128


def _make_agg_kernel(n, d, ch, half, npad):
    mesh = plsc.VectorSubcoreMesh(core_axis_name="c", subcore_axis_name="s")
    init_rows = npad // NS
    out_rows = (half // NS) // 8 * 8
    rem_rows = half - out_rows * NS

    @functools.partial(
        pl.kernel,
        mesh=mesh,
        out_type=jax.ShapeDtypeStruct((n, d), jnp.float32),
        scratch_types=[
            pltpu.VMEM((ch, C), jnp.int32),
            pltpu.VMEM((ch, C), jnp.int32),
            pltpu.VMEM((C, d), jnp.float32),
            pltpu.VMEM((C, d), jnp.float32),
            pltpu.VMEM_SHARED((npad, d), jnp.float32),
            pltpu.SemaphoreType.DMA,
            pltpu.SemaphoreType.DMA,
        ],
    )
    def agg_kernel(x_hbm, src_hbm, dst_hbm, zeros_hbm, out_hbm,
                   src_v, dst_v, rows0, rows1, aggs, sem0, sem1):
        cid = lax.axis_index("c")
        sid = lax.axis_index("s")

        pltpu.sync_copy(src_hbm.at[sid], src_v)
        pltpu.sync_copy(dst_hbm.at[cid * NS + sid], dst_v)
        pltpu.sync_copy(zeros_hbm, aggs.at[pl.ds(sid * init_rows, init_rows)])
        plsc.subcore_barrier()

        def start(cj, rows, sem):
            pltpu.async_copy(x_hbm.at[src_v.at[cj]], rows, sem)

        def wait(cj, rows, sem):
            pltpu.make_async_copy(x_hbm.at[src_v.at[cj]], rows, sem).wait()

        def scat(cj, rows):
            pltpu.sync_copy(rows, aggs.at[dst_v.at[cj]], add=True)

        start(0, rows0, sem0)

        def body(j, carry):
            c0 = 2 * j
            start(c0 + 1, rows1, sem1)
            wait(c0, rows0, sem0)
            scat(c0, rows0)
            start(c0 + 2, rows0, sem0)
            wait(c0 + 1, rows1, sem1)
            scat(c0 + 1, rows1)
            return carry

        lax.fori_loop(0, ch // 2 - 1, body, 0)
        start(ch - 1, rows1, sem1)
        wait(ch - 2, rows0, sem0)
        scat(ch - 2, rows0)
        wait(ch - 1, rows1, sem1)
        scat(ch - 1, rows1)

        plsc.subcore_barrier()
        pltpu.sync_copy(
            aggs.at[pl.ds(sid * out_rows, out_rows)],
            out_hbm.at[pl.ds(cid * half + sid * out_rows, out_rows)],
        )
        if rem_rows:
            @pl.when(sid == 0)
            def _():
                pltpu.sync_copy(
                    aggs.at[pl.ds(NS * out_rows, rem_rows)],
                    out_hbm.at[pl.ds(cid * half + NS * out_rows, rem_rows)],
                )

    return agg_kernel


def _mlp(x, p, w1, b1, w2, b2):
    n, d = x.shape
    h = w2.shape[1]
    bn = 512

    def body(x_ref, p_ref, w1_ref, b1_ref, w2_ref, b2_ref, o_ref):
        acc = x_ref[...] + p_ref[...]
        acc = jnp.dot(acc, w1_ref[...], preferred_element_type=jnp.float32)
        acc = jnp.maximum(acc + b1_ref[...], 0.0)
        acc = jnp.dot(acc, w2_ref[...], preferred_element_type=jnp.float32)
        o_ref[...] = jnp.tanh(acc + b2_ref[...])

    return pl.pallas_call(
        body,
        grid=(pl.cdiv(n, bn),),
        in_specs=[
            pl.BlockSpec((bn, d), lambda i: (i, 0)),
            pl.BlockSpec((bn, d), lambda i: (i, 0)),
            pl.BlockSpec((d, h), lambda i: (0, 0)),
            pl.BlockSpec((1, h), lambda i: (0, 0)),
            pl.BlockSpec((h, h), lambda i: (0, 0)),
            pl.BlockSpec((1, h), lambda i: (0, 0)),
        ],
        out_specs=pl.BlockSpec((bn, h), lambda i: (i, 0)),
        out_shape=jax.ShapeDtypeStruct((n, h), jnp.float32),
    )(x, p, w1, b1.reshape(1, -1), w2, b2.reshape(1, -1))


def kernel(x, edge_index, W1, b1, W2, b2):
    n, d = x.shape
    e = edge_index.shape[1]
    half = -(-n // NC)

    ch = -(-e // (NS * C))
    ch += ch % 2
    total = NS * ch * C
    npad = -(-(half + 1) // NS) * NS

    src = jnp.concatenate([edge_index[0], jnp.zeros((total - e,), jnp.int32)])
    dst = jnp.concatenate([edge_index[1], jnp.full((total - e,), -1, jnp.int32)])
    src = src.reshape(NS, ch, C)
    lo = jnp.arange(NC, dtype=jnp.int32)[:, None] * half
    loc = dst[None, :] - lo
    loc = jnp.where((loc >= 0) & (loc < half), loc, half)
    dst2 = loc.reshape(NC * NS, ch, C)
    zeros = jnp.zeros((npad // NS, d), jnp.float32)

    agg = _make_agg_kernel(n, d, ch, half, npad)(x, src, dst2, zeros)
    return _mlp(x, agg, W1, b1, W2, b2)

# --- scband reference (transcript-rebuilt; emitter-appended) ---
"""Pipeline reference for scband-ginlayer-17411797418332 (READ-ONLY COPY).

The authoritative reference and input builder live on the scoring server;
editing this copy changes nothing except your own understanding.
"""

import jax, jax.numpy as jnp
import numpy as np

N = 10000
E = 320000
D = 128
H = 128


def setup_inputs(seed: int = 0) -> dict:
    key = jax.random.key(seed)
    ks = jax.random.split(key, 6)
    x = jax.random.normal(ks[0], (N, D), dtype=jnp.float32)
    edge_index = jax.random.randint(ks[1], (2, E), 0, N, dtype=jnp.int32)
    # MLP params: Linear(D,H) -> ReLU -> Linear(H,H) -> Tanh
    lim1 = 1.0 / np.sqrt(D)
    lim2 = 1.0 / np.sqrt(H)
    W1 = jax.random.uniform(ks[2], (D, H), dtype=jnp.float32, minval=-lim1, maxval=lim1)
    b1 = jax.random.uniform(ks[3], (H,), dtype=jnp.float32, minval=-lim1, maxval=lim1)
    W2 = jax.random.uniform(ks[4], (H, H), dtype=jnp.float32, minval=-lim2, maxval=lim2)
    b2 = jax.random.uniform(ks[5], (H,), dtype=jnp.float32, minval=-lim2, maxval=lim2)
    return {"x": x, "edge_index": edge_index, "W1": W1, "b1": b1, "W2": W2, "b2": b2}


def reference(x, edge_index, W1, b1, W2, b2):
    # GINConv with default eps=0: out = mlp((1+eps)*x + sum_{j in N(i)} x_j)
    src = edge_index[0]
    dst = edge_index[1]
    msgs = jnp.take(x, src, axis=0)            # gather source node features per edge
    agg = jax.ops.segment_sum(msgs, dst, num_segments=N)  # scatter-add to dst nodes
    h = x + agg                                 # (1 + eps) * x + agg, eps = 0
    h = jnp.maximum(h @ W1 + b1, 0.0)           # Linear + ReLU
    h = jnp.tanh(h @ W2 + b2)                   # Linear + Tanh
    return h

if __name__ == "__main__":
    import jax
    _d = setup_inputs()
    print(jax.jit(kernel)(*tuple(_d.values())))

</pallas_src>

<mosaic_0001>
#map = affine_map<(d0, d1) -> (0, 0)>
#map1 = affine_map<(d0, d1) -> (0, 0, 0)>
module attributes {stable_mosaic.version = 14 : i64} {
  func.func @agg_kernel(%arg0: i32, %arg1: i32, %arg2: memref<10000x128xf32, #tpu.memory_space<hbm>>, %arg3: memref<16x158x128xi32, #tpu.memory_space<hbm>>, %arg4: memref<32x158x128xi32, #tpu.memory_space<hbm>>, %arg5: memref<313x128xf32, #tpu.memory_space<hbm>>, %arg6: memref<10000x128xf32, #tpu.memory_space<hbm>>, %arg7: memref<158x128xi32, #tpu.memory_space<vmem>>, %arg8: memref<158x128xi32, #tpu.memory_space<vmem>>, %arg9: memref<128x128xf32, #tpu.memory_space<vmem>>, %arg10: memref<128x128xf32, #tpu.memory_space<vmem>>, %arg11: memref<5008x128xf32, #tpu.memory_space<vmem_shared>>, %arg12: memref<!tpu.dma_semaphore, #tpu.memory_space<semaphore_mem>>, %arg13: memref<!tpu.dma_semaphore, #tpu.memory_space<semaphore_mem>>) attributes {dimension_semantics = [#tpu.dimension_semantics<core_parallel>, #tpu.dimension_semantics<subcore_parallel>], iteration_bounds = array<i64: 2, 16>, scalar_prefetch = 0 : i64, scratch_operands = 7 : i64, tpu.core_type = #tpu.core_type<sc_vector_subcore>, window_params = [{transform_indices = #map}, {transform_indices = #map1}, {transform_indices = #map1}, {transform_indices = #map}, {transform_indices = #map}]} {
    "tpu.region"() ({
      %run_scoped3A_45 = tpu.sem_alloc : memref<!tpu.dma_semaphore, #tpu.memory_space<semaphore_mem>>
      %dma_start3A_46 = arith.constant 0 : i32
      %dma_start3A_47 = arith.constant 0 : i32
      %dma_start3A_48 = tpu.memref_slice %arg3[%arg1, %dma_start3A_46, %dma_start3A_47] : memref<16x158x128xi32, #tpu.memory_space<hbm>> -> memref<1x158x128xi32, #tpu.memory_space<hbm>>
      %dma_start3A_49 = tpu.memref_squeeze %dma_start3A_48 : memref<1x158x128xi32, #tpu.memory_space<hbm>> -> memref<158x128xi32, #tpu.memory_space<hbm>>
      %dma_start3A_50 = arith.constant 0 : i32
      %dma_start3A_51 = arith.constant 0 : i32
      %dma_start3A_52 = tpu.memref_slice %arg3[%arg1, %dma_start3A_50, %dma_start3A_51] : memref<16x158x128xi32, #tpu.memory_space<hbm>> -> memref<1x158x128xi32, #tpu.memory_space<hbm>>
      %dma_start3A_53 = tpu.memref_squeeze %dma_start3A_52 : memref<1x158x128xi32, #tpu.memory_space<hbm>> -> memref<158x128xi32, #tpu.memory_space<hbm>>
      tpu.enqueue_dma source(%dma_start3A_53 : memref<158x128xi32, #tpu.memory_space<hbm>>) target(%arg7 : memref<158x128xi32, #tpu.memory_space<vmem>>) target_semaphore(%run_scoped3A_45 : memref<!tpu.dma_semaphore, #tpu.memory_space<semaphore_mem>>)
      %dma_wait3A_54 = arith.constant 0 : i32
      %dma_wait3A_55 = arith.constant 0 : i32
      %dma_wait3A_56 = tpu.memref_slice %arg3[%arg1, %dma_wait3A_54, %dma_wait3A_55] : memref<16x158x128xi32, #tpu.memory_space<hbm>> -> memref<1x158x128xi32, #tpu.memory_space<hbm>>
      %dma_wait3A_57 = tpu.memref_squeeze %dma_wait3A_56 : memref<1x158x128xi32, #tpu.memory_space<hbm>> -> memref<158x128xi32, #tpu.memory_space<hbm>>
      %dma_wait3A_58 = arith.constant 0 : i32
      %dma_wait3A_59 = arith.constant 0 : i32
      %dma_wait3A_60 = tpu.memref_slice %arg3[%arg1, %dma_wait3A_58, %dma_wait3A_59] : memref<16x158x128xi32, #tpu.memory_space<hbm>> -> memref<1x158x128xi32, #tpu.memory_space<hbm>>
      %dma_wait3A_61 = tpu.memref_squeeze %dma_wait3A_60 : memref<1x158x128xi32, #tpu.memory_space<hbm>> -> memref<158x128xi32, #tpu.memory_space<hbm>>
      tpu.wait_dma2 semaphore(%run_scoped3A_45 : memref<!tpu.dma_semaphore, #tpu.memory_space<semaphore_mem>>) src(%dma_wait3A_61 : memref<158x128xi32, #tpu.memory_space<hbm>>) dst(%arg7 : memref<158x128xi32, #tpu.memory_space<vmem>>)
      tpu.yield
    }) : () -> ()
    %mul3A = arith.constant 16 : i32
    %mul3A_0 = arith.muli %arg0, %mul3A : i32
    %add3A = arith.addi %mul3A_0, %arg1 : i32
    "tpu.region"() ({
      %run_scoped3A_45 = tpu.sem_alloc : memref<!tpu.dma_semaphore, #tpu.memory_space<semaphore_mem>>
      %dma_start3A_46 = arith.constant 0 : i32
      %dma_start3A_47 = arith.constant 0 : i32
      %dma_start3A_48 = tpu.memref_slice %arg4[%add3A, %dma_start3A_46, %dma_start3A_47] : memref<32x158x128xi32, #tpu.memory_space<hbm>> -> memref<1x158x128xi32, #tpu.memory_space<hbm>>
      %dma_start3A_49 = tpu.memref_squeeze %dma_start3A_48 : memref<1x158x128xi32, #tpu.memory_space<hbm>> -> memref<158x128xi32, #tpu.memory_space<hbm>>
      %dma_start3A_50 = arith.constant 0 : i32
      %dma_start3A_51 = arith.constant 0 : i32
      %dma_start3A_52 = tpu.memref_slice %arg4[%add3A, %dma_start3A_50, %dma_start3A_51] : memref<32x158x128xi32, #tpu.memory_space<hbm>> -> memref<1x158x128xi32, #tpu.memory_space<hbm>>
      %dma_start3A_53 = tpu.memref_squeeze %dma_start3A_52 : memref<1x158x128xi32, #tpu.memory_space<hbm>> -> memref<158x128xi32, #tpu.memory_space<hbm>>
      tpu.enqueue_dma source(%dma_start3A_53 : memref<158x128xi32, #tpu.memory_space<hbm>>) target(%arg8 : memref<158x128xi32, #tpu.memory_space<vmem>>) target_semaphore(%run_scoped3A_45 : memref<!tpu.dma_semaphore, #tpu.memory_space<semaphore_mem>>)
      %dma_wait3A_54 = arith.constant 0 : i32
      %dma_wait3A_55 = arith.constant 0 : i32
      %dma_wait3A_56 = tpu.memref_slice %arg4[%add3A, %dma_wait3A_54, %dma_wait3A_55] : memref<32x158x128xi32, #tpu.memory_space<hbm>> -> memref<1x158x128xi32, #tpu.memory_space<hbm>>
      %dma_wait3A_57 = tpu.memref_squeeze %dma_wait3A_56 : memref<1x158x128xi32, #tpu.memory_space<hbm>> -> memref<158x128xi32, #tpu.memory_space<hbm>>
      %dma_wait3A_58 = arith.constant 0 : i32
      %dma_wait3A_59 = arith.constant 0 : i32
      %dma_wait3A_60 = tpu.memref_slice %arg4[%add3A, %dma_wait3A_58, %dma_wait3A_59] : memref<32x158x128xi32, #tpu.memory_space<hbm>> -> memref<1x158x128xi32, #tpu.memory_space<hbm>>
      %dma_wait3A_61 = tpu.memref_squeeze %dma_wait3A_60 : memref<1x158x128xi32, #tpu.memory_space<hbm>> -> memref<158x128xi32, #tpu.memory_space<hbm>>
      tpu.wait_dma2 semaphore(%run_scoped3A_45 : memref<!tpu.dma_semaphore, #tpu.memory_space<semaphore_mem>>) src(%dma_wait3A_61 : memref<158x128xi32, #tpu.memory_space<hbm>>) dst(%arg8 : memref<158x128xi32, #tpu.memory_space<vmem>>)
      tpu.yield
    }) : () -> ()
    %mul3A_1 = arith.constant 313 : i32
    %mul3A_2 = arith.muli %arg1, %mul3A_1 : i32
    "tpu.region"() ({
      %run_scoped3A_45 = tpu.sem_alloc : memref<!tpu.dma_semaphore, #tpu.memory_space<semaphore_mem>>
      %dma_start3A_46 = arith.constant 0 : i32
      %dma_start3A_47 = tpu.memref_slice %arg11[%mul3A_2, %dma_start3A_46] : memref<5008x128xf32, #tpu.memory_space<vmem_shared>> -> memref<313x128xf32, #tpu.memory_space<vmem_shared>>
      tpu.enqueue_dma source(%arg5 : memref<313x128xf32, #tpu.memory_space<hbm>>) target(%dma_start3A_47 : memref<313x128xf32, #tpu.memory_space<vmem_shared>>) target_semaphore(%run_scoped3A_45 : memref<!tpu.dma_semaphore, #tpu.memory_space<semaphore_mem>>)
      %dma_wait3A_48 = arith.constant 0 : i32
      %dma_wait3A_49 = tpu.memref_slice %arg11[%mul3A_2, %dma_wait3A_48] : memref<5008x128xf32, #tpu.memory_space<vmem_shared>> -> memref<313x128xf32, #tpu.memory_space<vmem_shared>>
      tpu.wait_dma2 semaphore(%run_scoped3A_45 : memref<!tpu.dma_semaphore, #tpu.memory_space<semaphore_mem>>) src(%arg5 : memref<313x128xf32, #tpu.memory_space<hbm>>) dst(%dma_wait3A_49 : memref<313x128xf32, #tpu.memory_space<vmem_shared>>)
      tpu.yield
    }) : () -> ()
    %barrier3A = arith.constant 0 : index
    tpu.barrier barrier_id(%barrier3A)
    %dma_start3A = arith.constant 0 : i32
    %dma_start3A_3 = arith.constant 0 : i32
    %dma_start3A_4 = tpu.memref_slice %arg7[%dma_start3A, %dma_start3A_3] : memref<158x128xi32, #tpu.memory_space<vmem>> -> memref<1x128xi32, #tpu.memory_space<vmem>>
    %dma_start3A_5 = tpu.memref_squeeze %dma_start3A_4 : memref<1x128xi32, #tpu.memory_space<vmem>> -> memref<128xi32, #tpu.memory_space<vmem>>
    %dma_start3A_6 = arith.constant 0 : i32
    %dma_start3A_7 = arith.constant 0 : i32
    %dma_start3A_8 = tpu.memref_slice %arg2[%dma_start3A_6, %dma_start3A_7] : memref<10000x128xf32, #tpu.memory_space<hbm>> -> memref<10000x128xf32, #tpu.memory_space<hbm>>
    tpu.enqueue_indirect_dma source(%dma_start3A_8 : memref<10000x128xf32, #tpu.memory_space<hbm>>) target(%arg9 : memref<128x128xf32, #tpu.memory_space<vmem>>) offsets(%dma_start3A_5 : memref<128xi32, #tpu.memory_space<vmem>>) semaphore(%arg12 : memref<!tpu.dma_semaphore, #tpu.memory_space<semaphore_mem>>)
    %scan3A = arith.constant 0 : i32
    %scan3A_9 = arith.constant 0 : i32
    %scan3A_10 = arith.constant 78 : i32
    %scan3A_11 = arith.addi %scan3A_9, %scan3A_10 : i32
    %scan3A_12 = arith.constant 1 : i32
    scf.for %scan3A_45 = %scan3A_9 to %scan3A_11 step %scan3A_12  : i32 {
      %mul3A_46 = arith.constant 2 : i32
      %mul3A_47 = arith.muli %mul3A_46, %scan3A_45 : i32
      %add3A_48 = arith.constant 1 : i32
      %add3A_49 = arith.addi %mul3A_47, %add3A_48 : i32
      %dma_start3A_50 = arith.constant 0 : i32
      %dma_start3A_51 = tpu.memref_slice %arg7[%add3A_49, %dma_start3A_50] : memref<158x128xi32, #tpu.memory_space<vmem>> -> memref<1x128xi32, #tpu.memory_space<vmem>>
      %dma_start3A_52 = tpu.memref_squeeze %dma_start3A_51 : memref<1x128xi32, #tpu.memory_space<vmem>> -> memref<128xi32, #tpu.memory_space<vmem>>
      %dma_start3A_53 = arith.constant 0 : i32
      %dma_start3A_54 = arith.constant 0 : i32
      %dma_start3A_55 = tpu.memref_slice %arg2[%dma_start3A_53, %dma_start3A_54] : memref<10000x128xf32, #tpu.memory_space<hbm>> -> memref<10000x128xf32, #tpu.memory_space<hbm>>
      tpu.enqueue_indirect_dma source(%dma_start3A_55 : memref<10000x128xf32, #tpu.memory_space<hbm>>) target(%arg10 : memref<128x128xf32, #tpu.memory_space<vmem>>) offsets(%dma_start3A_52 : memref<128xi32, #tpu.memory_space<vmem>>) semaphore(%arg13 : memref<!tpu.dma_semaphore, #tpu.memory_space<semaphore_mem>>)
      %dma_wait3A_56 = arith.constant 0 : i32
      %dma_wait3A_57 = tpu.memref_slice %arg7[%mul3A_47, %dma_wait3A_56] : memref<158x128xi32, #tpu.memory_space<vmem>> -> memref<1x128xi32, #tpu.memory_space<vmem>>
      %dma_wait3A_58 = tpu.memref_squeeze %dma_wait3A_57 : memref<1x128xi32, #tpu.memory_space<vmem>> -> memref<128xi32, #tpu.memory_space<vmem>>
      %dma_wait3A_59 = arith.constant 0 : i32
      %dma_wait3A_60 = arith.constant 0 : i32
      %dma_wait3A_61 = tpu.memref_slice %arg2[%dma_wait3A_59, %dma_wait3A_60] : memref<10000x128xf32, #tpu.memory_space<hbm>> -> memref<10000x128xf32, #tpu.memory_space<hbm>>
      tpu.wait_indirect_dma semaphore(%arg12 : memref<!tpu.dma_semaphore, #tpu.memory_space<semaphore_mem>>) src(%dma_wait3A_61 : memref<10000x128xf32, #tpu.memory_space<hbm>>) dst(%arg9 : memref<128x128xf32, #tpu.memory_space<vmem>>)
      "tpu.region"() ({
        %run_scoped3A_80 = tpu.sem_alloc : memref<!tpu.dma_semaphore, #tpu.memory_space<semaphore_mem>>
        %dma_start3A_81 = arith.constant 0 : i32
        %dma_start3A_82 = tpu.memref_slice %arg8[%mul3A_47, %dma_start3A_81] : memref<158x128xi32, #tpu.memory_space<vmem>> -> memref<1x128xi32, #tpu.memory_space<vmem>>
        %dma_start3A_83 = tpu.memref_squeeze %dma_start3A_82 : memref<1x128xi32, #tpu.memory_space<vmem>> -> memref<128xi32, #tpu.memory_space<vmem>>
        %dma_start3A_84 = arith.constant 0 : i32
        %dma_start3A_85 = arith.constant 0 : i32
        %dma_start3A_86 = tpu.memref_slice %arg11[%dma_start3A_84, %dma_start3A_85] : memref<5008x128xf32, #tpu.memory_space<vmem_shared>> -> memref<5008x128xf32, #tpu.memory_space<vmem_shared>>
        tpu.enqueue_indirect_dma source(%arg9 : memref<128x128xf32, #tpu.memory_space<vmem>>) target(%dma_start3A_86 : memref<5008x128xf32, #tpu.memory_space<vmem_shared>>) offsets(%dma_start3A_83 : memref<128xi32, #tpu.memory_space<vmem>>) semaphore(%run_scoped3A_80 : memref<!tpu.dma_semaphore, #tpu.memory_space<semaphore_mem>>) {add = true}
        %dma_wait3A_87 = arith.constant 0 : i32
        %dma_wait3A_88 = tpu.memref_slice %arg8[%mul3A_47, %dma_wait3A_87] : memref<158x128xi32, #tpu.memory_space<vmem>> -> memref<1x128xi32, #tpu.memory_space<vmem>>
        %dma_wait3A_89 = tpu.memref_squeeze %dma_wait3A_88 : memref<1x128xi32, #tpu.memory_space<vmem>> -> memref<128xi32, #tpu.memory_space<vmem>>
        %dma_wait3A_90 = arith.constant 0 : i32
        %dma_wait3A_91 = arith.constant 0 : i32
        %dma_wait3A_92 = tpu.memref_slice %arg11[%dma_wait3A_90, %dma_wait3A_91] : memref<5008x128xf32, #tpu.memory_space<vmem_shared>> -> memref<5008x128xf32, #tpu.memory_space<vmem_shared>>
        tpu.wait_indirect_dma semaphore(%run_scoped3A_80 : memref<!tpu.dma_semaphore, #tpu.memory_space<semaphore_mem>>) src(%arg9 : memref<128x128xf32, #tpu.memory_space<vmem>>) dst(%dma_wait3A_92 : memref<5008x128xf32, #tpu.memory_space<vmem_shared>>)
        tpu.yield
      }) : () -> ()
      %add3A_62 = arith.constant 2 : i32
      %add3A_63 = arith.addi %mul3A_47, %add3A_62 : i32
      %dma_start3A_64 = arith.constant 0 : i32
      %dma_start3A_65 = tpu.memref_slice %arg7[%add3A_63, %dma_start3A_64] : memref<158x128xi32, #tpu.memory_space<vmem>> -> memref<1x128xi32, #tpu.memory_space<vmem>>
      %dma_start3A_66 = tpu.memref_squeeze %dma_start3A_65 : memref<1x128xi32, #tpu.memory_space<vmem>> -> memref<128xi32, #tpu.memory_space<vmem>>
      %dma_start3A_67 = arith.constant 0 : i32
      %dma_start3A_68 = arith.constant 0 : i32
      %dma_start3A_69 = tpu.memref_slice %arg2[%dma_start3A_67, %dma_start3A_68] : memref<10000x128xf32, #tpu.memory_space<hbm>> -> memref<10000x128xf32, #tpu.memory_space<hbm>>
      tpu.enqueue_indirect_dma source(%dma_start3A_69 : memref<10000x128xf32, #tpu.memory_space<hbm>>) target(%arg9 : memref<128x128xf32, #tpu.memory_space<vmem>>) offsets(%dma_start3A_66 : memref<128xi32, #tpu.memory_space<vmem>>) semaphore(%arg12 : memref<!tpu.dma_semaphore, #tpu.memory_space<semaphore_mem>>)
      %add3A_70 = arith.constant 1 : i32
      %add3A_71 = arith.addi %mul3A_47, %add3A_70 : i32
      %dma_wait3A_72 = arith.constant 0 : i32
      %dma_wait3A_73 = tpu.memref_slice %arg7[%add3A_71, %dma_wait3A_72] : memref<158x128xi32, #tpu.memory_space<vmem>> -> memref<1x128xi32, #tpu.memory_space<vmem>>
      %dma_wait3A_74 = tpu.memref_squeeze %dma_wait3A_73 : memref<1x128xi32, #tpu.memory_space<vmem>> -> memref<128xi32, #tpu.memory_space<vmem>>
      %dma_wait3A_75 = arith.constant 0 : i32
      %dma_wait3A_76 = arith.constant 0 : i32
      %dma_wait3A_77 = tpu.memref_slice %arg2[%dma_wait3A_75, %dma_wait3A_76] : memref<10000x128xf32, #tpu.memory_space<hbm>> -> memref<10000x128xf32, #tpu.memory_space<hbm>>
      tpu.wait_indirect_dma semaphore(%arg13 : memref<!tpu.dma_semaphore, #tpu.memory_space<semaphore_mem>>) src(%dma_wait3A_77 : memref<10000x128xf32, #tpu.memory_space<hbm>>) dst(%arg10 : memref<128x128xf32, #tpu.memory_space<vmem>>)
      %add3A_78 = arith.constant 1 : i32
      %add3A_79 = arith.addi %mul3A_47, %add3A_78 : i32
      "tpu.region"() ({
        %run_scoped3A_80 = tpu.sem_alloc : memref<!tpu.dma_semaphore, #tpu.memory_space<semaphore_mem>>
        %dma_start3A_81 = arith.constant 0 : i32
        %dma_start3A_82 = tpu.memref_slice %arg8[%add3A_79, %dma_start3A_81] : memref<158x128xi32, #tpu.memory_space<vmem>> -> memref<1x128xi32, #tpu.memory_space<vmem>>
        %dma_start3A_83 = tpu.memref_squeeze %dma_start3A_82 : memref<1x128xi32, #tpu.memory_space<vmem>> -> memref<128xi32, #tpu.memory_space<vmem>>
        %dma_start3A_84 = arith.constant 0 : i32
        %dma_start3A_85 = arith.constant 0 : i32
        %dma_start3A_86 = tpu.memref_slice %arg11[%dma_start3A_84, %dma_start3A_85] : memref<5008x128xf32, #tpu.memory_space<vmem_shared>> -> memref<5008x128xf32, #tpu.memory_space<vmem_shared>>
        tpu.enqueue_indirect_dma source(%arg10 : memref<128x128xf32, #tpu.memory_space<vmem>>) target(%dma_start3A_86 : memref<5008x128xf32, #tpu.memory_space<vmem_shared>>) offsets(%dma_start3A_83 : memref<128xi32, #tpu.memory_space<vmem>>) semaphore(%run_scoped3A_80 : memref<!tpu.dma_semaphore, #tpu.memory_space<semaphore_mem>>) {add = true}
        %dma_wait3A_87 = arith.constant 0 : i32
        %dma_wait3A_88 = tpu.memref_slice %arg8[%add3A_79, %dma_wait3A_87] : memref<158x128xi32, #tpu.memory_space<vmem>> -> memref<1x128xi32, #tpu.memory_space<vmem>>
        %dma_wait3A_89 = tpu.memref_squeeze %dma_wait3A_88 : memref<1x128xi32, #tpu.memory_space<vmem>> -> memref<128xi32, #tpu.memory_space<vmem>>
        %dma_wait3A_90 = arith.constant 0 : i32
        %dma_wait3A_91 = arith.constant 0 : i32
        %dma_wait3A_92 = tpu.memref_slice %arg11[%dma_wait3A_90, %dma_wait3A_91] : memref<5008x128xf32, #tpu.memory_space<vmem_shared>> -> memref<5008x128xf32, #tpu.memory_space<vmem_shared>>
        tpu.wait_indirect_dma semaphore(%run_scoped3A_80 : memref<!tpu.dma_semaphore, #tpu.memory_space<semaphore_mem>>) src(%arg10 : memref<128x128xf32, #tpu.memory_space<vmem>>) dst(%dma_wait3A_92 : memref<5008x128xf32, #tpu.memory_space<vmem_shared>>)
        tpu.yield
      }) : () -> ()
    }
    %scan3A_13 = arith.constant 78 : i32
    %dma_start3A_14 = arith.constant 157 : i32
    %dma_start3A_15 = arith.constant 0 : i32
    %dma_start3A_16 = tpu.memref_slice %arg7[%dma_start3A_14, %dma_start3A_15] : memref<158x128xi32, #tpu.memory_space<vmem>> -> memref<1x128xi32, #tpu.memory_space<vmem>>
    %dma_start3A_17 = tpu.memref_squeeze %dma_start3A_16 : memref<1x128xi32, #tpu.memory_space<vmem>> -> memref<128xi32, #tpu.memory_space<vmem>>
    %dma_start3A_18 = arith.constant 0 : i32
    %dma_start3A_19 = arith.constant 0 : i32
    %dma_start3A_20 = tpu.memref_slice %arg2[%dma_start3A_18, %dma_start3A_19] : memref<10000x128xf32, #tpu.memory_space<hbm>> -> memref<10000x128xf32, #tpu.memory_space<hbm>>
    tpu.enqueue_indirect_dma source(%dma_start3A_20 : memref<10000x128xf32, #tpu.memory_space<hbm>>) target(%arg10 : memref<128x128xf32, #tpu.memory_space<vmem>>) offsets(%dma_start3A_17 : memref<128xi32, #tpu.memory_space<vmem>>) semaphore(%arg13 : memref<!tpu.dma_semaphore, #tpu.memory_space<semaphore_mem>>)
    %dma_wait3A = arith.constant 156 : i32
    %dma_wait3A_21 = arith.constant 0 : i32
    %dma_wait3A_22 = tpu.memref_slice %arg7[%dma_wait3A, %dma_wait3A_21] : memref<158x128xi32, #tpu.memory_space<vmem>> -> memref<1x128xi32, #tpu.memory_space<vmem>>
    %dma_wait3A_23 = tpu.memref_squeeze %dma_wait3A_22 : memref<1x128xi32, #tpu.memory_space<vmem>> -> memref<128xi32, #tpu.memory_space<vmem>>
    %dma_wait3A_24 = arith.constant 0 : i32
    %dma_wait3A_25 = arith.constant 0 : i32
    %dma_wait3A_26 = tpu.memref_slice %arg2[%dma_wait3A_24, %dma_wait3A_25] : memref<10000x128xf32, #tpu.memory_space<hbm>> -> memref<10000x128xf32, #tpu.memory_space<hbm>>
    tpu.wait_indirect_dma semaphore(%arg12 : memref<!tpu.dma_semaphore, #tpu.memory_space<semaphore_mem>>) src(%dma_wait3A_26 : memref<10000x128xf32, #tpu.memory_space<hbm>>) dst(%arg9 : memref<128x128xf32, #tpu.memory_space<vmem>>)
    %run_scoped3A = arith.constant 156 : i32
    "tpu.region"() ({
      %run_scoped3A_45 = tpu.sem_alloc : memref<!tpu.dma_semaphore, #tpu.memory_space<semaphore_mem>>
      %dma_start3A_46 = arith.constant 0 : i32
      %dma_start3A_47 = tpu.memref_slice %arg8[%run_scoped3A, %dma_start3A_46] : memref<158x128xi32, #tpu.memory_space<vmem>> -> memref<1x128xi32, #tpu.memory_space<vmem>>
      %dma_start3A_48 = tpu.memref_squeeze %dma_start3A_47 : memref<1x128xi32, #tpu.memory_space<vmem>> -> memref<128xi32, #tpu.memory_space<vmem>>
      %dma_start3A_49 = arith.constant 0 : i32
      %dma_start3A_50 = arith.constant 0 : i32
      %dma_start3A_51 = tpu.memref_slice %arg11[%dma_start3A_49, %dma_start3A_50] : memref<5008x128xf32, #tpu.memory_space<vmem_shared>> -> memref<5008x128xf32, #tpu.memory_space<vmem_shared>>
      tpu.enqueue_indirect_dma source(%arg9 : memref<128x128xf32, #tpu.memory_space<vmem>>) target(%dma_start3A_51 : memref<5008x128xf32, #tpu.memory_space<vmem_shared>>) offsets(%dma_start3A_48 : memref<128xi32, #tpu.memory_space<vmem>>) semaphore(%run_scoped3A_45 : memref<!tpu.dma_semaphore, #tpu.memory_space<semaphore_mem>>) {add = true}
      %dma_wait3A_52 = arith.constant 0 : i32
      %dma_wait3A_53 = tpu.memref_slice %arg8[%run_scoped3A, %dma_wait3A_52] : memref<158x128xi32, #tpu.memory_space<vmem>> -> memref<1x128xi32, #tpu.memory_space<vmem>>
      %dma_wait3A_54 = tpu.memref_squeeze %dma_wait3A_53 : memref<1x128xi32, #tpu.memory_space<vmem>> -> memref<128xi32, #tpu.memory_space<vmem>>
      %dma_wait3A_55 = arith.constant 0 : i32
      %dma_wait3A_56 = arith.constant 0 : i32
      %dma_wait3A_57 = tpu.memref_slice %arg11[%dma_wait3A_55, %dma_wait3A_56] : memref<5008x128xf32, #tpu.memory_space<vmem_shared>> -> memref<5008x128xf32, #tpu.memory_space<vmem_shared>>
      tpu.wait_indirect_dma semaphore(%run_scoped3A_45 : memref<!tpu.dma_semaphore, #tpu.memory_space<semaphore_mem>>) src(%arg9 : memref<128x128xf32, #tpu.memory_space<vmem>>) dst(%dma_wait3A_57 : memref<5008x128xf32, #tpu.memory_space<vmem_shared>>)
      tpu.yield
    }) : () -> ()
    %dma_wait3A_27 = arith.constant 157 : i32
    %dma_wait3A_28 = arith.constant 0 : i32
    %dma_wait3A_29 = tpu.memref_slice %arg7[%dma_wait3A_27, %dma_wait3A_28] : memref<158x128xi32, #tpu.memory_space<vmem>> -> memref<1x128xi32, #tpu.memory_space<vmem>>
    %dma_wait3A_30 = tpu.memref_squeeze %dma_wait3A_29 : memref<1x128xi32, #tpu.memory_space<vmem>> -> memref<128xi32, #tpu.memory_space<vmem>>
    %dma_wait3A_31 = arith.constant 0 : i32
    %dma_wait3A_32 = arith.constant 0 : i32
    %dma_wait3A_33 = tpu.memref_slice %arg2[%dma_wait3A_31, %dma_wait3A_32] : memref<10000x128xf32, #tpu.memory_space<hbm>> -> memref<10000x128xf32, #tpu.memory_space<hbm>>
    tpu.wait_indirect_dma semaphore(%arg13 : memref<!tpu.dma_semaphore, #tpu.memory_space<semaphore_mem>>) src(%dma_wait3A_33 : memref<10000x128xf32, #tpu.memory_space<hbm>>) dst(%arg10 : memref<128x128xf32, #tpu.memory_space<vmem>>)
    %run_scoped3A_34 = arith.constant 157 : i32
    "tpu.region"() ({
      %run_scoped3A_45 = tpu.sem_alloc : memref<!tpu.dma_semaphore, #tpu.memory_space<semaphore_mem>>
      %dma_start3A_46 = arith.constant 0 : i32
      %dma_start3A_47 = tpu.memref_slice %arg8[%run_scoped3A_34, %dma_start3A_46] : memref<158x128xi32, #tpu.memory_space<vmem>> -> memref<1x128xi32, #tpu.memory_space<vmem>>
      %dma_start3A_48 = tpu.memref_squeeze %dma_start3A_47 : memref<1x128xi32, #tpu.memory_space<vmem>> -> memref<128xi32, #tpu.memory_space<vmem>>
      %dma_start3A_49 = arith.constant 0 : i32
      %dma_start3A_50 = arith.constant 0 : i32
      %dma_start3A_51 = tpu.memref_slice %arg11[%dma_start3A_49, %dma_start3A_50] : memref<5008x128xf32, #tpu.memory_space<vmem_shared>> -> memref<5008x128xf32, #tpu.memory_space<vmem_shared>>
      tpu.enqueue_indirect_dma source(%arg10 : memref<128x128xf32, #tpu.memory_space<vmem>>) target(%dma_start3A_51 : memref<5008x128xf32, #tpu.memory_space<vmem_shared>>) offsets(%dma_start3A_48 : memref<128xi32, #tpu.memory_space<vmem>>) semaphore(%run_scoped3A_45 : memref<!tpu.dma_semaphore, #tpu.memory_space<semaphore_mem>>) {add = true}
      %dma_wait3A_52 = arith.constant 0 : i32
      %dma_wait3A_53 = tpu.memref_slice %arg8[%run_scoped3A_34, %dma_wait3A_52] : memref<158x128xi32, #tpu.memory_space<vmem>> -> memref<1x128xi32, #tpu.memory_space<vmem>>
      %dma_wait3A_54 = tpu.memref_squeeze %dma_wait3A_53 : memref<1x128xi32, #tpu.memory_space<vmem>> -> memref<128xi32, #tpu.memory_space<vmem>>
      %dma_wait3A_55 = arith.constant 0 : i32
      %dma_wait3A_56 = arith.constant 0 : i32
      %dma_wait3A_57 = tpu.memref_slice %arg11[%dma_wait3A_55, %dma_wait3A_56] : memref<5008x128xf32, #tpu.memory_space<vmem_shared>> -> memref<5008x128xf32, #tpu.memory_space<vmem_shared>>
      tpu.wait_indirect_dma semaphore(%run_scoped3A_45 : memref<!tpu.dma_semaphore, #tpu.memory_space<semaphore_mem>>) src(%arg10 : memref<128x128xf32, #tpu.memory_space<vmem>>) dst(%dma_wait3A_57 : memref<5008x128xf32, #tpu.memory_space<vmem_shared>>)
      tpu.yield
    }) : () -> ()
    %barrier3A_35 = arith.constant 0 : index
    tpu.barrier barrier_id(%barrier3A_35)
    %mul3A_36 = arith.constant 312 : i32
    %mul3A_37 = arith.muli %arg1, %mul3A_36 : i32
    %mul3A_38 = arith.constant 5000 : i32
    %mul3A_39 = arith.muli %arg0, %mul3A_38 : i32
    %mul3A_40 = arith.constant 312 : i32
    %mul3A_41 = arith.muli %arg1, %mul3A_40 : i32
    %add3A_42 = arith.addi %mul3A_39, %mul3A_41 : i32
    "tpu.region"() ({
      %run_scoped3A_45 = tpu.sem_alloc : memref<!tpu.dma_semaphore, #tpu.memory_space<semaphore_mem>>
      %dma_start3A_46 = arith.constant 0 : i32
      %dma_start3A_47 = tpu.memref_slice %arg6[%add3A_42, %dma_start3A_46] : memref<10000x128xf32, #tpu.memory_space<hbm>> -> memref<312x128xf32, #tpu.memory_space<hbm>>
      %dma_start3A_48 = arith.constant 0 : i32
      %dma_start3A_49 = tpu.memref_slice %arg11[%mul3A_37, %dma_start3A_48] : memref<5008x128xf32, #tpu.memory_space<vmem_shared>> -> memref<312x128xf32, #tpu.memory_space<vmem_shared>>
      tpu.enqueue_dma source(%dma_start3A_49 : memref<312x128xf32, #tpu.memory_space<vmem_shared>>) target(%dma_start3A_47 : memref<312x128xf32, #tpu.memory_space<hbm>>) target_semaphore(%run_scoped3A_45 : memref<!tpu.dma_semaphore, #tpu.memory_space<semaphore_mem>>)
      %dma_wait3A_50 = arith.constant 0 : i32
      %dma_wait3A_51 = tpu.memref_slice %arg6[%add3A_42, %dma_wait3A_50] : memref<10000x128xf32, #tpu.memory_space<hbm>> -> memref<312x128xf32, #tpu.memory_space<hbm>>
      %dma_wait3A_52 = arith.constant 0 : i32
      %dma_wait3A_53 = tpu.memref_slice %arg11[%mul3A_37, %dma_wait3A_52] : memref<5008x128xf32, #tpu.memory_space<vmem_shared>> -> memref<312x128xf32, #tpu.memory_space<vmem_shared>>
      tpu.wait_dma2 semaphore(%run_scoped3A_45 : memref<!tpu.dma_semaphore, #tpu.memory_space<semaphore_mem>>) src(%dma_wait3A_53 : memref<312x128xf32, #tpu.memory_space<vmem_shared>>) dst(%dma_wait3A_51 : memref<312x128xf32, #tpu.memory_space<hbm>>)
      tpu.yield
    }) : () -> ()
    %eq3A = arith.constant 0 : i32
    %eq3A_43 = arith.cmpi eq, %arg1, %eq3A : i32
    %convert_element_type3A = arith.extui %eq3A_43 : i1 to i32
    %cond3A = arith.constant 0 : i32
    %cond3A_44 = arith.cmpi ne, %convert_element_type3A, %cond3A : i32
    scf.if %cond3A_44 {
      %mul3A_45 = arith.constant 5000 : i32
      %mul3A_46 = arith.muli %arg0, %mul3A_45 : i32
      %add3A_47 = arith.constant 4992 : i32
      %add3A_48 = arith.addi %mul3A_46, %add3A_47 : i32
      "tpu.region"() ({
        %run_scoped3A_49 = tpu.sem_alloc : memref<!tpu.dma_semaphore, #tpu.memory_space<semaphore_mem>>
        %dma_start3A_50 = arith.constant 0 : i32
        %dma_start3A_51 = tpu.memref_slice %arg6[%add3A_48, %dma_start3A_50] : memref<10000x128xf32, #tpu.memory_space<hbm>> -> memref<8x128xf32, #tpu.memory_space<hbm>>
        %dma_start3A_52 = arith.constant 4992 : i32
        %dma_start3A_53 = arith.constant 0 : i32
        %dma_start3A_54 = tpu.memref_slice %arg11[%dma_start3A_52, %dma_start3A_53] : memref<5008x128xf32, #tpu.memory_space<vmem_shared>> -> memref<8x128xf32, #tpu.memory_space<vmem_shared>>
        tpu.enqueue_dma source(%dma_start3A_54 : memref<8x128xf32, #tpu.memory_space<vmem_shared>>) target(%dma_start3A_51 : memref<8x128xf32, #tpu.memory_space<hbm>>) target_semaphore(%run_scoped3A_49 : memref<!tpu.dma_semaphore, #tpu.memory_space<semaphore_mem>>)
        %dma_wait3A_55 = arith.constant 0 : i32
        %dma_wait3A_56 = tpu.memref_slice %arg6[%add3A_48, %dma_wait3A_55] : memref<10000x128xf32, #tpu.memory_space<hbm>> -> memref<8x128xf32, #tpu.memory_space<hbm>>
        %dma_wait3A_57 = arith.constant 4992 : i32
        %dma_wait3A_58 = arith.constant 0 : i32
        %dma_wait3A_59 = tpu.memref_slice %arg11[%dma_wait3A_57, %dma_wait3A_58] : memref<5008x128xf32, #tpu.memory_space<vmem_shared>> -> memref<8x128xf32, #tpu.memory_space<vmem_shared>>
        tpu.wait_dma2 semaphore(%run_scoped3A_49 : memref<!tpu.dma_semaphore, #tpu.memory_space<semaphore_mem>>) src(%dma_wait3A_59 : memref<8x128xf32, #tpu.memory_space<vmem_shared>>) dst(%dma_wait3A_56 : memref<8x128xf32, #tpu.memory_space<hbm>>)
        tpu.yield
      }) : () -> ()
    } else {
    }
    return
  }
}

module attributes {stable_mosaic.version = 14 : i64} {
  func.func @body(%arg0: i32, %arg1: memref<512x128xf32, #tpu.memory_space<vmem>>, %arg2: memref<512x128xf32, #tpu.memory_space<vmem>>, %arg3: memref<128x128xf32, #tpu.memory_space<vmem>>, %arg4: memref<1x128xf32, #tpu.memory_space<vmem>>, %arg5: memref<128x128xf32, #tpu.memory_space<vmem>>, %arg6: memref<1x128xf32, #tpu.memory_space<vmem>>, %arg7: memref<512x128xf32, #tpu.memory_space<vmem>>) attributes {dimension_semantics = [#tpu.dimension_semantics<arbitrary>], iteration_bounds = array<i64: 20>, scalar_prefetch = 0 : i64, scratch_operands = 0 : i64, tpu.core_type = #tpu.core_type<tc>, window_params = [{transform_indices = @transform_0, window_bounds = array<i64: 512, 128>}, {transform_indices = @transform_1, window_bounds = array<i64: 512, 128>}, {pipeline_mode = #tpu.pipeline_mode<synchronous>, transform_indices = @transform_2, window_bounds = array<i64: 128, 128>}, {pipeline_mode = #tpu.pipeline_mode<synchronous>, transform_indices = @transform_3, window_bounds = array<i64: 1, 128>}, {pipeline_mode = #tpu.pipeline_mode<synchronous>, transform_indices = @transform_4, window_bounds = array<i64: 128, 128>}, {pipeline_mode = #tpu.pipeline_mode<synchronous>, transform_indices = @transform_5, window_bounds = array<i64: 1, 128>}, {transform_indices = @transform_6, window_bounds = array<i64: 512, 128>}]} {
    %get3A = arith.constant 0 : index
    %get3A_0 = arith.constant 0 : index
    %get3A_1 = vector.load %arg1[%get3A, %get3A_0] : memref<512x128xf32, #tpu.memory_space<vmem>>, vector<512x128xf32>
    %get3A_2 = arith.constant 0 : index
    %get3A_3 = arith.constant 0 : index
    %get3A_4 = vector.load %arg2[%get3A_2, %get3A_3] : memref<512x128xf32, #tpu.memory_space<vmem>>, vector<512x128xf32>
    %add3A = arith.addf %get3A_1, %get3A_4 : vector<512x128xf32>
    %get3A_5 = arith.constant 0 : index
    %get3A_6 = arith.constant 0 : index
    %get3A_7 = vector.load %arg3[%get3A_5, %get3A_6] : memref<128x128xf32, #tpu.memory_space<vmem>>, vector<128x128xf32>
    %dot_general3A = arith.constant dense<0.000000e+00> : vector<512x128xf32>
    %dot_general3A_8 = tpu.matmul %add3A, %get3A_7, %dot_general3A {dimension_numbers = #tpu.dot_dimension_numbers<[1], [0], [0], [1], [0, 0, 1, 1], [], []>, transpose_lhs_hint = false} : vector<512x128xf32>, vector<128x128xf32>, vector<512x128xf32> -> vector<512x128xf32>
    %get3A_9 = arith.constant 0 : index
    %get3A_10 = arith.constant 0 : index
    %get3A_11 = vector.load %arg4[%get3A_9, %get3A_10] : memref<1x128xf32, #tpu.memory_space<vmem>>, vector<1x128xf32>
    %add3A_12 = vector.broadcast %get3A_11 : vector<1x128xf32> to vector<512x128xf32>
    %add3A_13 = arith.addf %dot_general3A_8, %add3A_12 : vector<512x128xf32>
    %max3A = arith.constant 0.000000e+00 : f32
    %max3A_14 = vector.broadcast %max3A : f32 to vector<512x128xf32>
    %max3A_15 = arith.maximumf %add3A_13, %max3A_14 : vector<512x128xf32>
    %get3A_16 = arith.constant 0 : index
    %get3A_17 = arith.constant 0 : index
    %get3A_18 = vector.load %arg5[%get3A_16, %get3A_17] : memref<128x128xf32, #tpu.memory_space<vmem>>, vector<128x128xf32>
    %dot_general3A_19 = arith.constant dense<0.000000e+00> : vector<512x128xf32>
    %dot_general3A_20 = tpu.matmul %max3A_15, %get3A_18, %dot_general3A_19 {dimension_numbers = #tpu.dot_dimension_numbers<[1], [0], [0], [1], [0, 0, 1, 1], [], []>, transpose_lhs_hint = false} : vector<512x128xf32>, vector<128x128xf32>, vector<512x128xf32> -> vector<512x128xf32>
    %get3A_21 = arith.constant 0 : index
    %get3A_22 = arith.constant 0 : index
    %get3A_23 = vector.load %arg6[%get3A_21, %get3A_22] : memref<1x128xf32, #tpu.memory_space<vmem>>, vector<1x128xf32>
    %add3A_24 = vector.broadcast %get3A_23 : vector<1x128xf32> to vector<512x128xf32>
    %add3A_25 = arith.addf %dot_general3A_20, %add3A_24 : vector<512x128xf32>
    %tanh3A = math.tanh %add3A_25 : vector<512x128xf32>
    %swap3A = arith.constant 0 : index
    %swap3A_26 = arith.constant 0 : index
    %swap3A_27 = vector.load %arg7[%swap3A, %swap3A_26] : memref<512x128xf32, #tpu.memory_space<vmem>>, vector<512x128xf32>
    tpu.vector_store %arg7[%swap3A, %swap3A_26], %tanh3A {strides = array<i32>} : memref<512x128xf32, #tpu.memory_space<vmem>>, vector<512x128xf32>,
    return
  }
  func.func @transform_0(%arg0: i32) -> (i32, i32) {
    %c0_i32 = arith.constant 0 : i32
    %c0_i32_0 = arith.constant 0 : i32
    return %arg0, %c0_i32 : i32, i32
  }
  func.func @transform_1(%arg0: i32) -> (i32, i32) {
    %c0_i32 = arith.constant 0 : i32
    %c0_i32_0 = arith.constant 0 : i32
    return %arg0, %c0_i32 : i32, i32
  }
  func.func @transform_2(%arg0: i32) -> (i32, i32) {
    %c0_i32 = arith.constant 0 : i32
    %c0_i32_0 = arith.constant 0 : i32
    %c0_i32_1 = arith.constant 0 : i32
    return %c0_i32, %c0_i32_0 : i32, i32
  }
  func.func @transform_3(%arg0: i32) -> (i32, i32) {
    %c0_i32 = arith.constant 0 : i32
    %c0_i32_0 = arith.constant 0 : i32
    %c0_i32_1 = arith.constant 0 : i32
    return %c0_i32, %c0_i32_0 : i32, i32
  }
  func.func @transform_4(%arg0: i32) -> (i32, i32) {
    %c0_i32 = arith.constant 0 : i32
    %c0_i32_0 = arith.constant 0 : i32
    %c0_i32_1 = arith.constant 0 : i32
    return %c0_i32, %c0_i32_0 : i32, i32
  }
  func.func @transform_5(%arg0: i32) -> (i32, i32) {
    %c0_i32 = arith.constant 0 : i32
    %c0_i32_0 = arith.constant 0 : i32
    %c0_i32_1 = arith.constant 0 : i32
    return %c0_i32, %c0_i32_0 : i32, i32
  }
  func.func @transform_6(%arg0: i32) -> (i32, i32) {
    %c0_i32 = arith.constant 0 : i32
    %c0_i32_0 = arith.constant 0 : i32
    return %arg0, %c0_i32 : i32, i32
  }
}

</mosaic_0001>

<sc_bundles>
// kernel: kernel.4.cloned.1.call-start
scs
__scs_entry_jumppad:
0x0: {  	(pc) =	sbr.rel $0x88, $3  }
0x1: {  	(tag) =	ssettag $0x0;
	lr =	simm.s32 $0x1  }
0x2: {  	[smem:$0x3F9B] =	sst lr;
	_ =	strace $0xD0000000  }
0x3: {  	_ = 	snop  }
0x4: {  	_ = 	snop  }
0x5: {  	_ = 	snop  }
0x6: {  	_ = 	snop  }
0x7: {  	_ = 	snop  }
__scs_overlays_trampoline_lowered:
0x8: {  	[smem:$0x3FAA] =	sst s0  }
0x9: {  	[smem:$0x3FAB] =	sst s1  }
0xa: {  	[smem:$0x3FAC] =	sst s2  }
0xb: {  	[smem:$0x3FAD] =	sst s3  }
0xc: {  	[smem:$0x3FAE] =	sst s4  }
0xd: {  	[smem:$0x3FAF] =	sst s5  }
0xe: {  	[smem:$0x3FB0] =	sst s6  }
0xf: {  	[smem:$0x3FB1] =	sst s7  }
0x10: {  	[smem:$0x3FB2] =	sst s8  }
0x11: {  	[smem:$0x3FB3] =	sst s9;
	s0 =	simm.s32 @!p0 $0x0  }
0x12: {  	s1 =	sld [smem:$0x3F99];
	s0 =	simm.s32 @p0 $0x1  }
0x13: {  	[smem:$0x3FB4] =	sst s0;
	s0 =	simm.s32 @!p1 $0x0  }
0x14: {  	s2 =	sld [smem:$0x3F98];
	s0 =	simm.s32 @p1 $0x1  }
0x15: {  	[smem:$0x3FB5] =	sst s0;
	s0 =	simm.s32 @!p2 $0x0  }
0x16: {  	s3 =	sld [smem:$0x3FDB];
	s0 =	simm.s32 @p2 $0x1  }
0x17: {  	s4 =	simm.s32 $0x1BF5;
	[smem:$0x3FB7] =	sst s0  }
0x18: {  	s0 =	sld [smem:$0x3F9A];
	_ =	swait.ge [sflag:s4], $0x0  }
0x19: {  	s7 =	sld [smem:$0x3F9B]  }
0x1a: {  	s8 =	sadd.s32 $0xFFFFE003, lr  }
0x1b: {  	s9 =	sadd.s32 $0xFFFFFEF7, lr;
	s5 =	simm.s32 $0xFFFFFFFF;
	p2 =	slt.u32 s8, $0xFFFFF086  }
0x1c: {  	p1 =	slt.u32 s9, $0xF7A;
	s5 =	simm.s32 @!p2 $0x0  }
0x1d: {  	s5 =	simm.s32 @p1 $0x1;
	p0 =	seq.s32 s7, s2  }
0x1e: {  	s7 =	smul.u32 @!p0 $0xF7A, s2;
	p2 =	seq.s32 @!p0 s5, $0x0  }
0x1f: {  	s9 =	smul.u32 $0xF7A, s1;
	s8 =	simm.s32 @!p0 $0x1BF5;
	p2 =	por !p2, p0  }
0x20: {  	[sflag:s8] =	ssyncset.s32 @!p0 $0xFFFFF086;
	s6 =	sadd.s32 @!p0 s3, s7;
	s7 =	simm.s32 @!p0 $0x108  }
0x21: {  	s3 =	sadd.s32 s3, s9;
	s6 =	sadd.s32 @!p0 $0x88, s6;
	s7 =	simm.s32 @p2 $0x1082  }
0x22: {  	[simem:s7], [sflag:s8] =	dma.local @!p0 [hbm:s6], $0xF7A  }
0x23: {  	s9 =	sor.u32 $0xD0000000, s2;
	s6 =	simm.s32 $0x108;
	_ =	swait.ge @!p0 [sflag:s8], $0x0  }
0x24: {  	s3 =	sadd.s32 $0x88, s3;
	s6 =	simm.s32 @!p1 $0x1082;
	[sflag:s4] =	ssyncset.s32 $0xFFFFF086  }
0x25: {  	[simem:s6], [sflag:s4] =	dma.local [hbm:s3], $0xF7A  }
0x26: {  	[smem:$0x3F9B] =	sst s1;
	(tag) =	ssettag s2;
	_ =	strace s9  }
0x27: {  	s1 =	sld [smem:$0x3FAB]  }
0x28: {  	s2 =	sld [smem:$0x3FAC]  }
0x29: {  	s4 =	sld [smem:$0x3FAE]  }
0x2a: {  	p0 =	seq.s32 s5, $0x0;
	s5 =	sld [smem:$0x3FAF]  }
0x2b: {  	s6 =	sld [smem:$0x3FB0]  }
0x2c: {  	s7 =	sld [smem:$0x3FB1]  }
0x2d: {  	s3 =	simm.s32 $0x108;
	s8 =	sld [smem:$0x3FB2]  }
0x2e: {  	s3 =	simm.s32 @!p0 $0x1082;
	s9 =	sld [smem:$0x3FB3]  }
0x2f: {  	lr =	sadd.s32 s0, s3;
	s0 =	sld [smem:$0x3FAA]  }
0x30: {  	s3 =	sld [smem:$0x3FAD]  }
0x31: {  	[smem:$0x3FB6] =	sst s10  }
0x32: {  	s10 =	sld [smem:$0x3FB4];
	_ =	sdelay $0x3  }
0x33: {  	p0 =	seq.s32 s10, $0x1;
	s10 =	sld [smem:$0x3FB6];
	_ =	sdelay $0x3  }
0x34: {  	[smem:$0x3FB6] =	sst s10  }
0x35: {  	s10 =	sld [smem:$0x3FB5];
	_ =	sdelay $0x3  }
0x36: {  	p1 =	seq.s32 s10, $0x1;
	s10 =	sld [smem:$0x3FB6];
	_ =	sdelay $0x3  }
0x37: {  	[smem:$0x3FB6] =	sst s10  }
0x38: {  	s10 =	sld [smem:$0x3FB7]  }
0x39: {  	_ = 	snop;
	(pc) =	sbr.ind lr, $3  }
0x3a: {  	_ = 	snop  }
0x3b: {  	_ = 	snop  }
0x3c: {  	p2 =	seq.s32 s10, $0x1;
	s10 =	sld [smem:$0x3FB6]  }
0x3d: {  	_ =	shalt  }
0x3e: {  	_ =	shalt  }
0x3f: {  	_ =	shalt  }
0x40: {  	_ =	shalt  }
0x41: {  	_ =	shalt  }
0x42: {  	_ =	shalt  }
0x43: {  	_ =	shalt  }
0x44: {  	_ =	shalt  }
0x45: {  	_ =	shalt  }
0x46: {  	_ =	shalt  }
0x47: {  	_ =	shalt  }
0x48: {  	_ =	shalt  }
0x49: {  	_ =	shalt  }
0x4a: {  	_ =	shalt  }
0x4b: {  	_ =	shalt  }
0x4c: {  	_ =	shalt  }
0x4d: {  	_ =	shalt  }
0x4e: {  	_ =	shalt  }
0x4f: {  	_ =	shalt  }
0x50: {  	_ =	shalt  }
0x51: {  	_ =	shalt  }
0x52: {  	_ =	shalt  }
0x53: {  	_ =	shalt  }
0x54: {  	_ =	shalt  }
0x55: {  	_ =	shalt  }
0x56: {  	_ =	shalt  }
0x57: {  	_ =	shalt  }
0x58: {  	_ =	shalt  }
0x59: {  	_ =	shalt  }
0x5a: {  	_ =	shalt  }
0x5b: {  	_ =	shalt  }
0x5c: {  	_ =	shalt  }
0x5d: {  	_ =	shalt  }
0x5e: {  	_ =	shalt  }
0x5f: {  	_ =	shalt  }
0x60: {  	_ =	shalt  }
0x61: {  	_ =	shalt  }
0x62: {  	_ =	shalt  }
0x63: {  	_ =	shalt  }
0x64: {  	_ =	shalt  }
0x65: {  	_ =	shalt  }
0x66: {  	_ =	shalt  }
0x67: {  	_ =	shalt  }
0x68: {  	_ =	shalt  }
0x69: {  	_ =	shalt  }
0x6a: {  	_ =	shalt  }
0x6b: {  	_ =	shalt  }
0x6c: {  	_ =	shalt  }
0x6d: {  	_ =	shalt  }
0x6e: {  	_ =	shalt  }
0x6f: {  	_ =	shalt  }
0x70: {  	_ =	shalt  }
0x71: {  	_ =	shalt  }
0x72: {  	_ =	shalt  }
0x73: {  	_ =	shalt  }
0x74: {  	_ =	shalt  }
0x75: {  	_ =	shalt  }
0x76: {  	_ =	shalt  }
0x77: {  	_ =	shalt  }
0x78: {  	_ =	shalt  }
0x79: {  	_ =	shalt  }
0x7a: {  	_ =	shalt  }
0x7b: {  	_ =	shalt  }
0x7c: {  	_ =	shalt  }
0x7d: {  	_ =	shalt  }
0x7e: {  	_ =	shalt  }
0x7f: {  	_ =	shalt  }
0x80: {  	_ =	shalt  }
0x81: {  	_ =	shalt  }
0x82: {  	_ =	shalt  }
0x83: {  	_ =	shalt  }
0x84: {  	_ =	shalt  }
0x85: {  	_ =	shalt  }
0x86: {  	_ =	shalt  }
0x87: {  	_ =	shalt  }
.Lfunc_end0:
.L_simem_size_0:
called_computation_lowered:
.L_overlay_start_0:
0x88: {  	s2 =	sld [smem:$0x3FD9]  }
0x89: {  	s3 =	sld [smem:$0x3FFE];
	_ =	sdelay $0x1  }
0x8a: {  	s1 =	srdreg.scid  }
0x8b: {  	s0 =	sand.u32 $0x1, s1  }
0x8c: {  	s17 =	sshll.u32 s0, $0xA;
	s2 =	sadd.s32 s3, s2  }
0x8d: {  	s2 =	sadd.s32 s2, s17  }
0x8e: {  	[smem:$0x3FC2] =	sst s2  }
0x8f: {  	_ = 	snop  }
0x90: {  	s2 =	sld [smem:$0x3FC9]  }
0x91: {  	s18 =	sld [smem:$0x3FD0];
	(tm) =	ssettm $0x1  }
0x92: {  	s4 =	sld [smem:$0x3FFB];
	_ =	sdelay $0x3  }
0x93: {  	_ =	strace s4  }
0x94: {  	s4 =	sld [smem:$0x3FFC];
	_ =	sdelay $0x3  }
0x95: {  	_ =	strace s4  }
0x96: {  	s4 =	sld [smem:$0x3FFD];
	_ =	sdelay $0x3  }
0x97: {  	_ =	strace s4  }
0x98: {  	_ =	strace $0x8FFFFFFF  }
0x99: {  	s19 =	sld [smem:$0x3FDB];
	_ =	sdelay $0x1  }
0x9a: {  	s5 =	simm.s32 $_scs_section_size  }
0x9b: {  	s6 =	simm.s32 $_size__tile_overlayer_lowered;
	s7 =	simm.s32 $_tile_overlayer_lowered  }
0x9c: {  	s22 =	simm.s32 $0x1BFF;
	s21 =	sshll.u32 s7, $0x1;
	s4 =	sadd.s32 s5, s19  }
0x9d: {  	s8 =	simm.s32 $0x0;
	s20 =	sshll.u32 s6, $0x1;
	s6 =	sadd.s32 s21, s4  }
0x9e: {  	[timem:s8], [sflag:s22] =	dma.local [hbm:s6], s20  }
0x9f: {  	_ =	swait.ge [sflag:s22], s20  }
0xa0: {  	s5 =	ssub.s32 $0x0, s20;
	[sflag:s22] =	ssyncset.done $0x0  }
0xa1: {  	[sflag:s22] =	ssyncadd.s32 s5;
	_ =	sdelay $0x1  }
0xa2: {  	s23 =	simm.s32 $0x1B8B  }
0xa3: {  	_ =	swait.ge [sflag:s23], $0x1  }
0xa4: {  	[sflag:s23] =	ssyncset.done $0x0  }
0xa5: {  	s25 =	simm.s32 $0x1B8E;
	s24 =	sld [smem:$0x3FFE];
	[sflag:s23] =	ssyncadd.s32 $0xFFFFFFFF  }
0xa6: {  	s26 =	simm.s32 $execute0_lowered;
	[smem:$0x3FD2] =	sst s25  }
0xa7: {  	s6 =	sshll.u32 s26, $0x1;
	_ =	strace $0x80000046;
	[dreg:$0x1] =	wrdreg $0xFFFFFFFF  }
0xa8: {  	s28 =	simm.s32 $_size_execute0_lowered;
	s4 =	sadd.s32 s4, s6;
	[dreg:$0x0] =	wrdreg $0x0  }
0xa9: {  	s6 =	sshll.u32 s28, $0x1;
	[dreg:$0x2] =	wrdreg s4  }
0xaa: {  	[dreg:$0x3] =	wrdreg s6  }
0xab: {  	[dreg:$0x4] =	wrdreg $0xC0  }
0xac: {  	_ =	task [dreg:s8], $0x5FFFF  }
0xad: {  	[dreg:$0x1] =	wrdreg $0xFFFFFFFF  }
0xae: {  	[dreg:$0x0] =	wrdreg $0x60  }
0xaf: {  	[dreg:$0x2] =	wrdreg s2  }
0xb0: {  	[dreg:$0x3] =	wrdreg s24  }
0xb1: {  	[dreg:$0x4] =	wrdreg s18  }
0xb2: {  	[dreg:$0x5] =	wrdreg $0x120000  }
0xb3: {  	[dreg:$0x6] =	wrdreg $0x9  }
0xb4: {  	_ =	task.clear_ibuf [dreg:s8], $0x7FFFF;
	_ =	strace $0x90000046  }
0xb5: {  	s29 =	simm.s32 $0x9;
	_ =	strace $0x80000048  }
0xb6: {  	_ =	swait.ge [sflag:s29], $0x1  }
0xb7: {  	[sflag:s29] =	ssyncadd.s32 $0xFFFFFFFF  }
0xb8: {  	_ =	strace $0x90000048  }
0xb9: {  	_ =	sfence  }
0xba: {  	s30 =	sld [smem:$0x0];
	_ =	sdelay $0x2  }
0xbb: {  	s31 =	sshll.u32 s1, $0xD;
	s1 =	sshrl.u32 s1, $0x2  }
0xbc: {  	s3 =	sand.u32 $0x4000, s31;
	s1 =	sadd.s32 s1, s30  }
0xbd: {  	s0 =	sor.u32 s3, s0;
	s1 =	sshll.u32 s1, $0x11  }
0xbe: {  	s0 =	sor.u32 s1, s0  }
0xbf: {  	s0 =	sadd.s32 $0x8F2B, s0  }
0xc0: {  	[sflag:s0] =	ssyncadd.remote.s32 $0x1  }
0xc1: {  	_ =	sfence.sel $0xFFFF  }
0xc2: {  	[dreg:$0x0] =	wrdreg $0xFFFFFFFF;
	(pc) =	sbr.abs _section_cstart, $3  }
0xc3: {  	[dreg:$0x1] =	wrdreg $0xFFFFFFFF  }
0xc4: {  	_ =	task.clear_ibuf [dreg:s8], $0x2FFFF;
	_ =	strace $0x9FFFFFFF  }
0xc5: {  	(tm) =	ssettm $0x7FFFFFFF  }
tec
execute0_lowered:
.L_overlay_start_1:
0x0: {  	(tag) =	ssettag $0x1  }
0x1: {  	s0 =	rddreg [dreg:$0x0]  }
0x2: {  	s4 =	rddreg [dreg:$0x1]  }
0x3: {  	s7 =	rddreg [dreg:$0x2]  }
0x4: {  	s1 =	srdreg.scid;
	s2 =	rddreg [dreg:$0x3]  }
0x5: {  	s19 =	stileid.u32;
	s3 =	simm.s32 $0x0;
	s15 =	simm.s32 $0xA000  }
0x6: {  	s16 =	simm.s32 $0xE000;
	s17 =	simm.s32 $0x1;
	s18 =	simm.s32 $0x2  }
0x7: {  	s20 =	simm.s32 $0x9E00;
	s21 =	simm.s32 $0x9E80;
	s8 =	smul.u32 $0xA00, s19  }
0x8: {  	s6 =	sand.u32 $0x1, s1;
	s1 =	rddreg [dreg:$0x4];
	s9 =	smul.u32 $0x27200, s19  }
0x9: {  	s24 =	simm.s32 $0x0;
	[smem:$0x7FF] =	sst s3;
	s11 =	smul.u32 $0x27000, s19  }
0xa: {  	s28 =	smul.u32 $0x1380, s19;
	s23 =	sadd.s32 $0x9C000, s2;
	s31 =	sshll.u32 s19, $0x6  }
0xb: {  	p0 =	sne.s32 s19, $0x0;
	s5 =	sshll.u32 s6, $0x4;
	s13 =	smul.u32 $0x13880, s6  }
0xc: {  	_ =	strace $0x80000047;
	s25 =	ssub.s32 $0x2, s6;
	s26 =	smul.u32 $0x9C400, s6  }
0xd: {  	s23 =	sshrl.u32 @!p0 s23, $0x3;
	s5 =	sor.u32 s19, s5;
	s8 =	sadd.s32 s8, s4  }
0xe: {  	s12 =	sshrl.u32 s25, $0x1;
	s9 =	sshrl.u32 s9, $0x2;
	s29 =	sshrl.u32 s11, $0x2  }
0xf: {  	s11 =	simm.s32 $0x5000;
	s19 =	simm.s32 $0x4E80;
	s5 =	smul.u32 $0xA00, s5  }
0x10: {  	s12 =	ssub.s32 s25, s12;
	s14 =	sadd.s32 s9, s2;
	s22 =	sadd.s32 s29, s2  }
0x11: {  	s30 =	sadd.s32 s28, s13;
	s9 =	smax.u32 s12, $0x1;
	s12 =	sor.u32 $0x1C03, s31  }
0x12: {  	s13 =	sshrl.u32 s14, $0x3;
	s14 =	simm.s32 $0x80;
	s22 =	sshrl.u32 s22, $0x3  }
0x13: {  	s10 =	sadd.s32 s5, s4;
	s5 =	sadd.s32 $0xE00, s8;
	s8 =	sshrl.u32 s26, $0x3  }
0x14: {  	s4 =	sadd.s32 $0x1EE00, s4;
	s6 =	sadd.s32 $0xAE00, s10;
	s8 =	sadd.s32 s7, s8  }
0x15: {  	s7 =	sadd.s32 s7, s30;
	s10 =	simm.s32 $0x3;
	s8 =	sadd.s32 $0x13800, s8  }
.LBB2_1:
0x16: {  	[tilespmem:s3], [sflag:$0x3] =	stream.linear.gather [hbm4b:s5+s3], $0x4F00, $0x38;
	[tilespmem:$0x1BC80] =	vst v63  }
0x17: {  	_ =	swait.ge [sflag:s10], $0x4F00  }
0x18: {  	[sflag:s10] =	ssyncset.done $0x0  }
0x19: {  	[sflag:s10] =	ssyncadd.s32 $0xFFFFB100  }
0x1a: {  	[tilespmem:s11], [sflag:$0x3] =	stream.linear.gather [hbm4b:s6+s3], $0x4F00, $0x38;
	[tilespmem:$0x1BC80] =	vst v63  }
0x1b: {  	_ =	swait.ge [sflag:s10], $0x4F00  }
0x1c: {  	[sflag:s10] =	ssyncset.done $0x0  }
0x1d: {  	[sflag:s10] =	ssyncadd.s32 $0xFFFFB100  }
0x1e: {  	[spmem:s13], [sflag:s12] =	dma.local [hbm:s4], $0x1390  }
0x1f: {  	_ =	swait.ge [sflag:s10], $0x1390  }
0x20: {  	[sflag:s10] =	ssyncset.done $0x0  }
0x21: {  	[sflag:s10] =	ssyncadd.s32 $0xFFFFEC70  }
0x22: {  	[bflag:$0x0] =	sbarrier.arrive $0xFFFF  }
0x23: {  	[tilespmem:s15], [sflag:$0x1] =	stream.indirect.gather [hbm4b:s0+s14], $0x80, s3, s14, $0xb8;
	[tilespmem:$0x1BC80] =	vst v63  }
0x24: {  	s25 =	simm.s32 $0x80  }
0x25: {  	[tilespmem:s16], [sflag:$0x2] =	stream.indirect.gather [hbm4b:s0+s14], $0x80, s25, s14, $0xb8;
	[tilespmem:$0x1BC80] =	vst v63  }
0x26: {  	_ =	swait.ge [sflag:s17], $0x4000  }
0x27: {  	[sflag:s17] =	ssyncset.done $0x0  }
0x28: {  	s29 =	simm.s32 $0x5000;
	[sflag:s17] =	ssyncadd.s32 $0xFFFFC000  }
0x29: {  	[spmem:s2] =	stream.indirect.scatter.add.f32 [tilespmem:s15], [sflag:$0x3], $0x80, s29, s14, $0xb8;
	[tilespmem:$0x1BC80] =	vst v63  }
0x2a: {  	_ =	swait.ge [sflag:s10], $0x4000  }
0x2b: {  	[sflag:s10] =	ssyncset.done $0x0  }
0x2c: {  	s30 =	simm.s32 $0x100;
	[sflag:s10] =	ssyncadd.s32 $0xFFFFC000  }
0x2d: {  	[tilespmem:s15], [sflag:$0x1] =	stream.indirect.gather [hbm4b:s0+s14], $0x80, s30, s14, $0xb8;
	[tilespmem:$0x1BC80] =	vst v63  }
0x2e: {  	_ =	swait.ge [sflag:s18], $0x4000  }
0x2f: {  	[sflag:s18] =	ssyncset.done $0x0  }
0x30: {  	s31 =	simm.s32 $0x5080;
	[sflag:s18] =	ssyncadd.s32 $0xFFFFC000  }
0x31: {  	[spmem:s2] =	stream.indirect.scatter.add.f32 [tilespmem:s16], [sflag:$0x3], $0x80, s31, s14, $0xb8;
	[tilespmem:$0x1BC80] =	vst v63  }
0x32: {  	_ =	swait.ge [sflag:s10], $0x4000  }
0x33: {  	s26 =	simm.s32 $0x800;
	s25 =	simm.s32 $0x100;
	[sflag:s10] =	ssyncset.done $0x0  }
.LBB2_2:
0x34: {  	s28 =	sadd.s32 $0x80, s25  }
0x35: {  	[sflag:s10] =	ssyncadd.s32 $0xFFFFC000;
	s29 =	smov.u32 s26;
	s30 =	sadd.s32 $0x400, s26  }
0x36: {  	[tilespmem:s16], [sflag:$0x2] =	stream.indirect.gather [hbm4b:s0+s14], $0x80, s28, s14, $0xb8;
	[tilespmem:$0x1BC80] =	vst v63  }
0x37: {  	p1 =	sne.s32 s26, $0x13400;
	_ =	swait.ge [sflag:s17], $0x4000  }
0x38: {  	[sflag:s17] =	ssyncset.done $0x0  }
0x39: {  	s26 =	sadd.s32 $0x5000, s25;
	[sflag:s17] =	ssyncadd.s32 $0xFFFFC000  }
0x3a: {  	[spmem:s2] =	stream.indirect.scatter.add.f32 [tilespmem:s15], [sflag:$0x3], $0x80, s26, s14, $0xb8;
	[tilespmem:$0x1BC80] =	vst v63  }
0x3b: {  	_ =	swait.ge [sflag:s10], $0x4000  }
0x3c: {  	[sflag:s10] =	ssyncset.done $0x0  }
0x3d: {  	s26 =	sadd.s32 $0x100, s25;
	[sflag:s10] =	ssyncadd.s32 $0xFFFFC000  }
0x3e: {  	[tilespmem:s15], [sflag:$0x1] =	stream.indirect.gather [hbm4b:s0+s14], $0x80, s26, s14, $0xb8;
	[tilespmem:$0x1BC80] =	vst v63  }
0x3f: {  	_ =	swait.ge [sflag:s18], $0x4000  }
.Ltmp0:
0x40: {  	[sflag:s18] =	ssyncset.done $0x0;
	(pc) =	sbr.rel @p1 .LBB2_2-.Ltmp0, $4  }
0x41: {  	s25 =	sadd.s32 $0x5080, s25;
	[sflag:s18] =	ssyncadd.s32 $0xFFFFC000  }
0x42: {  	[spmem:s2] =	stream.indirect.scatter.add.f32 [tilespmem:s16], [sflag:$0x3], $0x80, s25, s14, $0xb8;
	[tilespmem:$0x1BC80] =	vst v63  }
0x43: {  	_ =	swait.ge [sflag:s10], $0x4000  }
0x44: {  	s26 =	smov.u32 s30;
	s25 =	sshra.s32 s29, $0x2;
	[sflag:s10] =	ssyncset.done $0x0  }
0x45: {  	s26 =	sadd.s32 $0x80, s25;
	[sflag:s10] =	ssyncadd.s32 $0xFFFFC000  }
0x46: {  	[tilespmem:s16], [sflag:$0x2] =	stream.indirect.gather [hbm4b:s0+s14], $0x80, s26, s14, $0xb8;
	[tilespmem:$0x1BC80] =	vst v63  }
0x47: {  	_ =	swait.ge [sflag:s17], $0x4000  }
0x48: {  	[sflag:s17] =	ssyncset.done $0x0  }
0x49: {  	s29 =	sadd.s32 $0x5000, s25;
	[sflag:s17] =	ssyncadd.s32 $0xFFFFC000  }
0x4a: {  	[spmem:s2] =	stream.indirect.scatter.add.f32 [tilespmem:s15], [sflag:$0x3], $0x80, s29, s14, $0xb8;
	[tilespmem:$0x1BC80] =	vst v63  }
0x4b: {  	_ =	swait.ge [sflag:s10], $0x4000  }
0x4c: {  	[sflag:s10] =	ssyncset.done $0x0  }
0x4d: {  	s30 =	sadd.s32 $0x100, s25;
	[sflag:s10] =	ssyncadd.s32 $0xFFFFC000  }
0x4e: {  	[tilespmem:s15], [sflag:$0x1] =	stream.indirect.gather [hbm4b:s0+s14], $0x80, s30, s14, $0xb8;
	[tilespmem:$0x1BC80] =	vst v63  }
0x4f: {  	_ =	swait.ge [sflag:s18], $0x4000  }
0x50: {  	[sflag:s18] =	ssyncset.done $0x0  }
0x51: {  	s31 =	sadd.s32 $0x5080, s25;
	[sflag:s18] =	ssyncadd.s32 $0xFFFFC000  }
0x52: {  	[spmem:s2] =	stream.indirect.scatter.add.f32 [tilespmem:s16], [sflag:$0x3], $0x80, s31, s14, $0xb8;
	[tilespmem:$0x1BC80] =	vst v63  }
0x53: {  	_ =	swait.ge [sflag:s10], $0x4000  }
0x54: {  	[sflag:s10] =	ssyncset.done $0x0  }
0x55: {  	[sflag:s10] =	ssyncadd.s32 $0xFFFFC000  }
0x56: {  	[tilespmem:s16], [sflag:$0x2] =	stream.indirect.gather [hbm4b:s0+s14], $0x80, s19, s14, $0xb8;
	[tilespmem:$0x1BC80] =	vst v63  }
0x57: {  	_ =	swait.ge [sflag:s17], $0x4000  }
0x58: {  	[sflag:s17] =	ssyncset.done $0x0  }
0x59: {  	[sflag:s17] =	ssyncadd.s32 $0xFFFFC000  }
0x5a: {  	[spmem:s2] =	stream.indirect.scatter.add.f32 [tilespmem:s15], [sflag:$0x3], $0x80, s20, s14, $0xb8;
	[tilespmem:$0x1BC80] =	vst v63  }
0x5b: {  	_ =	swait.ge [sflag:s10], $0x4000  }
0x5c: {  	[sflag:s10] =	ssyncset.done $0x0  }
0x5d: {  	[sflag:s10] =	ssyncadd.s32 $0xFFFFC000  }
0x5e: {  	_ =	swait.ge [sflag:s18], $0x4000  }
0x5f: {  	[sflag:s18] =	ssyncset.done $0x0  }
0x60: {  	[sflag:s18] =	ssyncadd.s32 $0xFFFFC000  }
0x61: {  	[spmem:s2] =	stream.indirect.scatter.add.f32 [tilespmem:s16], [sflag:$0x3], $0x80, s21, s14, $0xb8;
	[tilespmem:$0x1BC80] =	vst v63  }
0x62: {  	_ =	swait.ge [sflag:s10], $0x4000  }
0x63: {  	[sflag:s10] =	ssyncset.done $0x0  }
0x64: {  	[sflag:s10] =	ssyncadd.s32 $0xFFFFC000  }
0x65: {  	[bflag:$0x0] =	sbarrier.arrive $0xFFFF  }
0x66: {  	[hbm:s7], [sflag:s12] =	dma.local [spmem:s22], $0x1380  }
0x67: {  	s24 =	sadd.s32 $0x1, s24;
	_ =	swait.ge [sflag:s10], $0x1380  }
0x68: {  	p1 =	sne.s32 s24, s9;
	[sflag:s10] =	ssyncset.done $0x0  }
.Ltmp1:
0x69: {  	s25 =	simm.s32 @!p0 $0x3;
	[sflag:s10] =	ssyncadd.s32 $0xFFFFEC80;
	(pc) =	sbr.rel @p1 .LBB2_1-.Ltmp1, $4  }
0x6a: {  	[hbm:s8], [sflag:s12] =	dma.local @!p0 [spmem:s23], $0x80  }
0x6b: {  	_ =	swait.ge @!p0 [sflag:s25], $0x80  }
0x6c: {  	[sflag:s25] =	ssyncset.done @!p0 $0x0  }
0x6d: {  	[sflag:s25] =	ssyncadd.s32 @!p0 $0xFFFFFF80  }
0x6e: {  	_ =	sfence.sel $0x180000  }
0x6f: {  	[bflag:$0x0] =	sbarrier.arrive $0xFFFF  }
0x70: {  	_ =	strace $0x90000047  }
0x71: {  	s0 =	sadd.s32 @!p0 $0x100000, s1;
	[bflag:$0x2] =	sbarrier.arrive $0xFFFF  }
0x72: {  	[sflag:s0] =	ssyncadd.tile.s32 @!p0 $0x1;
	_ =	shalt  }
.Lfunc_end2:
_tile_overlayer_lowered:
.L_overlay_start_2:
0x73: {  	(tag) =	ssettag $0x2  }
0x74: {  	s0 =	rddreg [dreg:$0x0];
	s2 =	stileid.u32  }
0x75: {  	s1 =	rddreg [dreg:$0x1];
	p0 =	sne.s32 s2, $0x0  }
0x76: {  	s3 =	rddreg [dreg:$0x2];
	[bflag:$0x3] =	sbarrier.arrive $0xFFFF;
	s2 =	simm.s32 @!p0 $0x1C03  }
0x77: {  	[timem:s3], [sflag:s2] =	dma.local @!p0 [hbm:s0], s1  }
0x78: {  	s0 =	simm.s32 @!p0 $0x3  }
0x79: {  	_ =	swait.ge @!p0 [sflag:s0], s1  }
0x7a: {  	s1 =	ssub.s32 @!p0 $0x0, s1;
	[sflag:s0] =	ssyncset.done @!p0 $0x0  }
0x7b: {  	[sflag:s0] =	ssyncadd.s32 @!p0 s1  }
0x7c: {  	[bflag:$0x3] =	sbarrier.arrive $0xFFFF  }
0x7d: {  	_ =	shalt  }

</sc_bundles>
